<compile_context>
chip_gen: v7x
topology: tpu7x:2x2x1
jax: 0.10.2.dev20260603
libtpu: 0.0.44.dev20260713+nightly
codegen_flags: <defaults>
</compile_context>

<pallas_src>
import functools

import jax
import jax.numpy as jnp
from jax import lax
from jax.experimental import pallas as pl
from jax.experimental.pallas import tpu as pltpu
from jax.experimental.pallas import tpu_sc as plsc

_DIM = 32
_BATCH = 16384
_NC = 2
_NS = 16
_L = 16
_NW = _NC * _NS
_BPW = _BATCH // _NW
_CHUNK = 128
_NCHUNKS = _BPW // _CHUNK


def _sc_kernel(table_hbm, idx_hbm, out_hbm, idx_v, rows_v, out_v, sems):
  wid = lax.axis_index("s") * _NC + lax.axis_index("c")

  pltpu.sync_copy(idx_hbm.at[wid], idx_v)

  copies = []
  for j in range(_NCHUNKS):
    copies.append(
        pltpu.async_copy(
            table_hbm.at[idx_v.at[j]],
            rows_v.at[pl.ds(j * _CHUNK, _CHUNK)],
            sems.at[j],
        )
    )

  even = lax.iota(jnp.int32, _L) * 2
  odd = even + 1

  for j in range(_NCHUNKS):
    copies[j].wait()

    def convert_row(r, _):
      base = r * _DIM
      row = jnp.full((_L,), r, jnp.int32)
      a = plsc.load_gather(rows_v, [row, even])
      b = plsc.load_gather(rows_v, [row, odd])
      packed = plsc.pack(a, b, format=plsc.PackFormat.INTERLEAVED)
      out_v[pl.ds(base, _DIM)] = packed
      return 0

    lax.fori_loop(j * _CHUNK, (j + 1) * _CHUNK, convert_row, 0)

  pltpu.sync_copy(out_v, out_hbm.at[pl.ds(wid * _BPW * _DIM, _BPW * _DIM)])


@jax.jit
def _lookup(table, idx):
  mesh = plsc.VectorSubcoreMesh(core_axis_name="c", subcore_axis_name="s")
  f = pl.kernel(
      _sc_kernel,
      out_type=jax.ShapeDtypeStruct((_BATCH * _DIM,), jnp.bfloat16),
      mesh=mesh,
      scratch_types=[
          pltpu.VMEM((_NCHUNKS, _CHUNK), jnp.int32),
          pltpu.VMEM((_BPW, _DIM), jnp.float32),
          pltpu.VMEM((_BPW * _DIM,), jnp.bfloat16),
          pltpu.SemaphoreType.DMA((_NCHUNKS,)),
      ],
      compiler_params=pltpu.CompilerParams(
          needs_layout_passes=False, use_tc_tiling_on_sc=False
      ),
  )
  return f(table, idx)


def kernel(inputs, weights):
  idx = inputs.astype(jnp.int32).reshape(_NW, _NCHUNKS, _CHUNK)
  out = _lookup(weights, idx)
  return out.reshape(_BATCH, _DIM)

# --- scband reference (transcript-rebuilt; emitter-appended) ---
"""Pipeline reference for scband-casted-sparse-embedding-48584670053176 (READ-ONLY COPY).

The authoritative reference and input builder live on the scoring server;
editing this copy changes nothing except your own understanding.
"""

import jax, jax.numpy as jnp
import numpy as np

NUM_EMBEDDINGS = 1000000
EMBEDDING_DIM = 32
INIT_STD = 0.02
BATCH = 16384

def setup_inputs(seed: int = 0) -> dict:
    key = jax.random.key(seed)
    k_idx, k_w = jax.random.split(key)
    inputs = jax.random.randint(k_idx, (BATCH,), 0, NUM_EMBEDDINGS, dtype=jnp.int64 if jax.config.jax_enable_x64 else jnp.int32)
    # truncated-normal-like init (std=INIT_STD), float32 master weights
    weights = jax.random.truncated_normal(k_w, -2.0, 2.0, (NUM_EMBEDDINGS, EMBEDDING_DIM), dtype=jnp.float32) * INIT_STD
    return {"inputs": inputs, "weights": weights}

def reference(inputs, weights):
    # CastedSparseEmbedding.__call__: gather rows then cast to bfloat16
    embeddings = jnp.take(weights, inputs, axis=0)
    return embeddings.astype(jnp.bfloat16)

if __name__ == "__main__":
    import jax
    _d = setup_inputs()
    print(jax.jit(kernel)(*tuple(_d.values())))

</pallas_src>

<mosaic_0001>
#map = affine_map<(d0, d1) -> (0, 0)>
#map1 = affine_map<(d0, d1) -> (0, 0, 0)>
#map2 = affine_map<(d0, d1) -> (0)>
module attributes {stable_mosaic.version = 14 : i64} {
  func.func @_sc_kernel(%arg0: i32, %arg1: i32, %arg2: memref<1000000x32xf32, #tpu.memory_space<hbm>>, %arg3: memref<32x4x128xi32, #tpu.memory_space<hbm>>, %arg4: memref<524288xbf16, #tpu.memory_space<hbm>>, %arg5: memref<4x128xi32, #tpu.memory_space<vmem>>, %arg6: memref<512x32xf32, #tpu.memory_space<vmem>>, %arg7: memref<16384xbf16, #tpu.memory_space<vmem>>, %arg8: memref<4x!tpu.dma_semaphore, #tpu.memory_space<semaphore_mem>>) attributes {dimension_semantics = [#tpu.dimension_semantics<core_parallel>, #tpu.dimension_semantics<subcore_parallel>], iteration_bounds = array<i64: 2, 16>, scalar_prefetch = 0 : i64, scratch_operands = 4 : i64, tpu.core_type = #tpu.core_type<sc_vector_subcore>, window_params = [{transform_indices = #map}, {transform_indices = #map1}, {transform_indices = #map2}]} {
    %mul3A = arith.constant 2 : i32
    %mul3A_0 = arith.muli %arg1, %mul3A : i32
    %add3A = arith.addi %mul3A_0, %arg0 : i32
    "tpu.region"() ({
      %run_scoped3A = tpu.sem_alloc : memref<!tpu.dma_semaphore, #tpu.memory_space<semaphore_mem>>
      %dma_start3A_140 = arith.constant 0 : i32
      %dma_start3A_141 = arith.constant 0 : i32
      %dma_start3A_142 = tpu.memref_slice %arg3[%add3A, %dma_start3A_140, %dma_start3A_141] : memref<32x4x128xi32, #tpu.memory_space<hbm>> -> memref<1x4x128xi32, #tpu.memory_space<hbm>>
      %dma_start3A_143 = tpu.memref_squeeze %dma_start3A_142 : memref<1x4x128xi32, #tpu.memory_space<hbm>> -> memref<4x128xi32, #tpu.memory_space<hbm>>
      %dma_start3A_144 = arith.constant 0 : i32
      %dma_start3A_145 = arith.constant 0 : i32
      %dma_start3A_146 = tpu.memref_slice %arg3[%add3A, %dma_start3A_144, %dma_start3A_145] : memref<32x4x128xi32, #tpu.memory_space<hbm>> -> memref<1x4x128xi32, #tpu.memory_space<hbm>>
      %dma_start3A_147 = tpu.memref_squeeze %dma_start3A_146 : memref<1x4x128xi32, #tpu.memory_space<hbm>> -> memref<4x128xi32, #tpu.memory_space<hbm>>
      tpu.enqueue_dma source(%dma_start3A_147 : memref<4x128xi32, #tpu.memory_space<hbm>>) target(%arg5 : memref<4x128xi32, #tpu.memory_space<vmem>>) target_semaphore(%run_scoped3A : memref<!tpu.dma_semaphore, #tpu.memory_space<semaphore_mem>>)
      %dma_wait3A_148 = arith.constant 0 : i32
      %dma_wait3A_149 = arith.constant 0 : i32
      %dma_wait3A_150 = tpu.memref_slice %arg3[%add3A, %dma_wait3A_148, %dma_wait3A_149] : memref<32x4x128xi32, #tpu.memory_space<hbm>> -> memref<1x4x128xi32, #tpu.memory_space<hbm>>
      %dma_wait3A_151 = tpu.memref_squeeze %dma_wait3A_150 : memref<1x4x128xi32, #tpu.memory_space<hbm>> -> memref<4x128xi32, #tpu.memory_space<hbm>>
      %dma_wait3A_152 = arith.constant 0 : i32
      %dma_wait3A_153 = arith.constant 0 : i32
      %dma_wait3A_154 = tpu.memref_slice %arg3[%add3A, %dma_wait3A_152, %dma_wait3A_153] : memref<32x4x128xi32, #tpu.memory_space<hbm>> -> memref<1x4x128xi32, #tpu.memory_space<hbm>>
      %dma_wait3A_155 = tpu.memref_squeeze %dma_wait3A_154 : memref<1x4x128xi32, #tpu.memory_space<hbm>> -> memref<4x128xi32, #tpu.memory_space<hbm>>
      tpu.wait_dma2 semaphore(%run_scoped3A : memref<!tpu.dma_semaphore, #tpu.memory_space<semaphore_mem>>) src(%dma_wait3A_155 : memref<4x128xi32, #tpu.memory_space<hbm>>) dst(%arg5 : memref<4x128xi32, #tpu.memory_space<vmem>>)
      tpu.yield
    }) : () -> ()
    %dma_start3A = arith.constant 0 : i32
    %dma_start3A_1 = arith.constant 0 : i32
    %dma_start3A_2 = arith.constant 0 : i32
    %dma_start3A_3 = arith.constant 0 : i32
    %dma_start3A_4 = tpu.memref_slice %arg6[%dma_start3A_2, %dma_start3A_3] : memref<512x32xf32, #tpu.memory_space<vmem>> -> memref<128x32xf32, #tpu.memory_space<vmem>>
    %dma_start3A_5 = arith.constant 0 : i32
    %dma_start3A_6 = tpu.memref_slice %arg5[%dma_start3A, %dma_start3A_5] : memref<4x128xi32, #tpu.memory_space<vmem>> -> memref<1x128xi32, #tpu.memory_space<vmem>>
    %dma_start3A_7 = tpu.memref_squeeze %dma_start3A_6 : memref<1x128xi32, #tpu.memory_space<vmem>> -> memref<128xi32, #tpu.memory_space<vmem>>
    %dma_start3A_8 = arith.constant 0 : i32
    %dma_start3A_9 = arith.constant 0 : i32
    %dma_start3A_10 = tpu.memref_slice %arg2[%dma_start3A_8, %dma_start3A_9] : memref<1000000x32xf32, #tpu.memory_space<hbm>> -> memref<1000000x32xf32, #tpu.memory_space<hbm>>
    %dma_start3A_11 = tpu.memref_slice %arg8[%dma_start3A_1] : memref<4x!tpu.dma_semaphore, #tpu.memory_space<semaphore_mem>> -> memref<1x!tpu.dma_semaphore, #tpu.memory_space<semaphore_mem>>
    %dma_start3A_12 = tpu.memref_squeeze %dma_start3A_11 : memref<1x!tpu.dma_semaphore, #tpu.memory_space<semaphore_mem>> -> memref<!tpu.dma_semaphore, #tpu.memory_space<semaphore_mem>>
    tpu.enqueue_indirect_dma source(%dma_start3A_10 : memref<1000000x32xf32, #tpu.memory_space<hbm>>) target(%dma_start3A_4 : memref<128x32xf32, #tpu.memory_space<vmem>>) offsets(%dma_start3A_7 : memref<128xi32, #tpu.memory_space<vmem>>) semaphore(%dma_start3A_12 : memref<!tpu.dma_semaphore, #tpu.memory_space<semaphore_mem>>)
    %dma_start3A_13 = arith.constant 1 : i32
    %dma_start3A_14 = arith.constant 1 : i32
    %dma_start3A_15 = arith.constant 128 : i32
    %dma_start3A_16 = arith.constant 0 : i32
    %dma_start3A_17 = tpu.memref_slice %arg6[%dma_start3A_15, %dma_start3A_16] : memref<512x32xf32, #tpu.memory_space<vmem>> -> memref<128x32xf32, #tpu.memory_space<vmem>>
    %dma_start3A_18 = arith.constant 0 : i32
    %dma_start3A_19 = tpu.memref_slice %arg5[%dma_start3A_13, %dma_start3A_18] : memref<4x128xi32, #tpu.memory_space<vmem>> -> memref<1x128xi32, #tpu.memory_space<vmem>>
    %dma_start3A_20 = tpu.memref_squeeze %dma_start3A_19 : memref<1x128xi32, #tpu.memory_space<vmem>> -> memref<128xi32, #tpu.memory_space<vmem>>
    %dma_start3A_21 = arith.constant 0 : i32
    %dma_start3A_22 = arith.constant 0 : i32
    %dma_start3A_23 = tpu.memref_slice %arg2[%dma_start3A_21, %dma_start3A_22] : memref<1000000x32xf32, #tpu.memory_space<hbm>> -> memref<1000000x32xf32, #tpu.memory_space<hbm>>
    %dma_start3A_24 = tpu.memref_slice %arg8[%dma_start3A_14] : memref<4x!tpu.dma_semaphore, #tpu.memory_space<semaphore_mem>> -> memref<1x!tpu.dma_semaphore, #tpu.memory_space<semaphore_mem>>
    %dma_start3A_25 = tpu.memref_squeeze %dma_start3A_24 : memref<1x!tpu.dma_semaphore, #tpu.memory_space<semaphore_mem>> -> memref<!tpu.dma_semaphore, #tpu.memory_space<semaphore_mem>>
    tpu.enqueue_indirect_dma source(%dma_start3A_23 : memref<1000000x32xf32, #tpu.memory_space<hbm>>) target(%dma_start3A_17 : memref<128x32xf32, #tpu.memory_space<vmem>>) offsets(%dma_start3A_20 : memref<128xi32, #tpu.memory_space<vmem>>) semaphore(%dma_start3A_25 : memref<!tpu.dma_semaphore, #tpu.memory_space<semaphore_mem>>)
    %dma_start3A_26 = arith.constant 2 : i32
    %dma_start3A_27 = arith.constant 2 : i32
    %dma_start3A_28 = arith.constant 256 : i32
    %dma_start3A_29 = arith.constant 0 : i32
    %dma_start3A_30 = tpu.memref_slice %arg6[%dma_start3A_28, %dma_start3A_29] : memref<512x32xf32, #tpu.memory_space<vmem>> -> memref<128x32xf32, #tpu.memory_space<vmem>>
    %dma_start3A_31 = arith.constant 0 : i32
    %dma_start3A_32 = tpu.memref_slice %arg5[%dma_start3A_26, %dma_start3A_31] : memref<4x128xi32, #tpu.memory_space<vmem>> -> memref<1x128xi32, #tpu.memory_space<vmem>>
    %dma_start3A_33 = tpu.memref_squeeze %dma_start3A_32 : memref<1x128xi32, #tpu.memory_space<vmem>> -> memref<128xi32, #tpu.memory_space<vmem>>
    %dma_start3A_34 = arith.constant 0 : i32
    %dma_start3A_35 = arith.constant 0 : i32
    %dma_start3A_36 = tpu.memref_slice %arg2[%dma_start3A_34, %dma_start3A_35] : memref<1000000x32xf32, #tpu.memory_space<hbm>> -> memref<1000000x32xf32, #tpu.memory_space<hbm>>
    %dma_start3A_37 = tpu.memref_slice %arg8[%dma_start3A_27] : memref<4x!tpu.dma_semaphore, #tpu.memory_space<semaphore_mem>> -> memref<1x!tpu.dma_semaphore, #tpu.memory_space<semaphore_mem>>
    %dma_start3A_38 = tpu.memref_squeeze %dma_start3A_37 : memref<1x!tpu.dma_semaphore, #tpu.memory_space<semaphore_mem>> -> memref<!tpu.dma_semaphore, #tpu.memory_space<semaphore_mem>>
    tpu.enqueue_indirect_dma source(%dma_start3A_36 : memref<1000000x32xf32, #tpu.memory_space<hbm>>) target(%dma_start3A_30 : memref<128x32xf32, #tpu.memory_space<vmem>>) offsets(%dma_start3A_33 : memref<128xi32, #tpu.memory_space<vmem>>) semaphore(%dma_start3A_38 : memref<!tpu.dma_semaphore, #tpu.memory_space<semaphore_mem>>)
    %dma_start3A_39 = arith.constant 3 : i32
    %dma_start3A_40 = arith.constant 3 : i32
    %dma_start3A_41 = arith.constant 384 : i32
    %dma_start3A_42 = arith.constant 0 : i32
    %dma_start3A_43 = tpu.memref_slice %arg6[%dma_start3A_41, %dma_start3A_42] : memref<512x32xf32, #tpu.memory_space<vmem>> -> memref<128x32xf32, #tpu.memory_space<vmem>>
    %dma_start3A_44 = arith.constant 0 : i32
    %dma_start3A_45 = tpu.memref_slice %arg5[%dma_start3A_39, %dma_start3A_44] : memref<4x128xi32, #tpu.memory_space<vmem>> -> memref<1x128xi32, #tpu.memory_space<vmem>>
    %dma_start3A_46 = tpu.memref_squeeze %dma_start3A_45 : memref<1x128xi32, #tpu.memory_space<vmem>> -> memref<128xi32, #tpu.memory_space<vmem>>
    %dma_start3A_47 = arith.constant 0 : i32
    %dma_start3A_48 = arith.constant 0 : i32
    %dma_start3A_49 = tpu.memref_slice %arg2[%dma_start3A_47, %dma_start3A_48] : memref<1000000x32xf32, #tpu.memory_space<hbm>> -> memref<1000000x32xf32, #tpu.memory_space<hbm>>
    %dma_start3A_50 = tpu.memref_slice %arg8[%dma_start3A_40] : memref<4x!tpu.dma_semaphore, #tpu.memory_space<semaphore_mem>> -> memref<1x!tpu.dma_semaphore, #tpu.memory_space<semaphore_mem>>
    %dma_start3A_51 = tpu.memref_squeeze %dma_start3A_50 : memref<1x!tpu.dma_semaphore, #tpu.memory_space<semaphore_mem>> -> memref<!tpu.dma_semaphore, #tpu.memory_space<semaphore_mem>>
    tpu.enqueue_indirect_dma source(%dma_start3A_49 : memref<1000000x32xf32, #tpu.memory_space<hbm>>) target(%dma_start3A_43 : memref<128x32xf32, #tpu.memory_space<vmem>>) offsets(%dma_start3A_46 : memref<128xi32, #tpu.memory_space<vmem>>) semaphore(%dma_start3A_51 : memref<!tpu.dma_semaphore, #tpu.memory_space<semaphore_mem>>)
    %iota3A = tpu.iota {dimensions = array<i32: 0>} : vector<16xi32>
    %mul3A_52 = arith.constant 2 : i32
    %mul3A_53 = vector.broadcast %mul3A_52 : i32 to vector<16xi32>
    %mul3A_54 = arith.muli %iota3A, %mul3A_53 : vector<16xi32>
    %add3A_55 = arith.constant 1 : i32
    %add3A_56 = vector.broadcast %add3A_55 : i32 to vector<16xi32>
    %add3A_57 = arith.addi %mul3A_54, %add3A_56 : vector<16xi32>
    %dma_wait3A = arith.constant 0 : i32
    %dma_wait3A_58 = arith.constant 0 : i32
    %dma_wait3A_59 = arith.constant 0 : i32
    %dma_wait3A_60 = arith.constant 0 : i32
    %dma_wait3A_61 = tpu.memref_slice %arg6[%dma_wait3A_59, %dma_wait3A_60] : memref<512x32xf32, #tpu.memory_space<vmem>> -> memref<128x32xf32, #tpu.memory_space<vmem>>
    %dma_wait3A_62 = arith.constant 0 : i32
    %dma_wait3A_63 = tpu.memref_slice %arg5[%dma_wait3A, %dma_wait3A_62] : memref<4x128xi32, #tpu.memory_space<vmem>> -> memref<1x128xi32, #tpu.memory_space<vmem>>
    %dma_wait3A_64 = tpu.memref_squeeze %dma_wait3A_63 : memref<1x128xi32, #tpu.memory_space<vmem>> -> memref<128xi32, #tpu.memory_space<vmem>>
    %dma_wait3A_65 = arith.constant 0 : i32
    %dma_wait3A_66 = arith.constant 0 : i32
    %dma_wait3A_67 = tpu.memref_slice %arg2[%dma_wait3A_65, %dma_wait3A_66] : memref<1000000x32xf32, #tpu.memory_space<hbm>> -> memref<1000000x32xf32, #tpu.memory_space<hbm>>
    %dma_wait3A_68 = tpu.memref_slice %arg8[%dma_wait3A_58] : memref<4x!tpu.dma_semaphore, #tpu.memory_space<semaphore_mem>> -> memref<1x!tpu.dma_semaphore, #tpu.memory_space<semaphore_mem>>
    %dma_wait3A_69 = tpu.memref_squeeze %dma_wait3A_68 : memref<1x!tpu.dma_semaphore, #tpu.memory_space<semaphore_mem>> -> memref<!tpu.dma_semaphore, #tpu.memory_space<semaphore_mem>>
    tpu.wait_indirect_dma semaphore(%dma_wait3A_69 : memref<!tpu.dma_semaphore, #tpu.memory_space<semaphore_mem>>) src(%dma_wait3A_67 : memref<1000000x32xf32, #tpu.memory_space<hbm>>) dst(%dma_wait3A_61 : memref<128x32xf32, #tpu.memory_space<vmem>>)
    %scan3A = arith.constant 0 : i32
    %scan3A_70 = arith.constant 0 : i32
    %scan3A_71 = arith.constant 128 : i32
    %scan3A_72 = arith.addi %scan3A_70, %scan3A_71 : i32
    %scan3A_73 = arith.constant 1 : i32
    %scan3A_74 = scf.for %scan3A_140 = %scan3A_70 to %scan3A_72 step %scan3A_73 iter_args(%scan3A_141 = %scan3A) -> (i32)  : i32 {
      %mul3A_142 = arith.constant 32 : i32
      %mul3A_143 = arith.muli %scan3A_140, %mul3A_142 : i32
      %broadcast_in_dim3A = vector.broadcast %scan3A_140 : i32 to vector<16xi32>
      %gather3A = tpu.vector_load_idx %arg6[%broadcast_in_dim3A, %mul3A_54] : memref<512x32xf32, #tpu.memory_space<vmem>>[vector<16xi32>, vector<16xi32>], vector<16xf32>,
      %gather3A_144 = tpu.vector_load_idx %arg6[%broadcast_in_dim3A, %add3A_57] : memref<512x32xf32, #tpu.memory_space<vmem>>[vector<16xi32>, vector<16xi32>], vector<16xf32>,
      %pack3A = tpu.pack_subelements %gather3A, %gather3A_144 {pack_format = #tpu.pack_format<interleaved>, positions = array<i32: 0, 1>} : vector<16xf32>, vector<16xf32> -> vector<32xbf16>
      %swap3A = arith.index_cast %mul3A_143 : i32 to index
      %swap3A_145 = tpu.vector_load %arg7[%swap3A] {strides = array<i32>} : memref<16384xbf16, #tpu.memory_space<vmem>>, vector<32xbf16>,
      tpu.vector_store %arg7[%swap3A], %pack3A {strides = array<i32>} : memref<16384xbf16, #tpu.memory_space<vmem>>, vector<32xbf16>,
      %scan3A_146 = arith.constant 0 : i32
      scf.yield %scan3A_146 : i32
    }
    %scan3A_75 = arith.constant 128 : i32
    %dma_wait3A_76 = arith.constant 1 : i32
    %dma_wait3A_77 = arith.constant 1 : i32
    %dma_wait3A_78 = arith.constant 128 : i32
    %dma_wait3A_79 = arith.constant 0 : i32
    %dma_wait3A_80 = tpu.memref_slice %arg6[%dma_wait3A_78, %dma_wait3A_79] : memref<512x32xf32, #tpu.memory_space<vmem>> -> memref<128x32xf32, #tpu.memory_space<vmem>>
    %dma_wait3A_81 = arith.constant 0 : i32
    %dma_wait3A_82 = tpu.memref_slice %arg5[%dma_wait3A_76, %dma_wait3A_81] : memref<4x128xi32, #tpu.memory_space<vmem>> -> memref<1x128xi32, #tpu.memory_space<vmem>>
    %dma_wait3A_83 = tpu.memref_squeeze %dma_wait3A_82 : memref<1x128xi32, #tpu.memory_space<vmem>> -> memref<128xi32, #tpu.memory_space<vmem>>
    %dma_wait3A_84 = arith.constant 0 : i32
    %dma_wait3A_85 = arith.constant 0 : i32
    %dma_wait3A_86 = tpu.memref_slice %arg2[%dma_wait3A_84, %dma_wait3A_85] : memref<1000000x32xf32, #tpu.memory_space<hbm>> -> memref<1000000x32xf32, #tpu.memory_space<hbm>>
    %dma_wait3A_87 = tpu.memref_slice %arg8[%dma_wait3A_77] : memref<4x!tpu.dma_semaphore, #tpu.memory_space<semaphore_mem>> -> memref<1x!tpu.dma_semaphore, #tpu.memory_space<semaphore_mem>>
    %dma_wait3A_88 = tpu.memref_squeeze %dma_wait3A_87 : memref<1x!tpu.dma_semaphore, #tpu.memory_space<semaphore_mem>> -> memref<!tpu.dma_semaphore, #tpu.memory_space<semaphore_mem>>
    tpu.wait_indirect_dma semaphore(%dma_wait3A_88 : memref<!tpu.dma_semaphore, #tpu.memory_space<semaphore_mem>>) src(%dma_wait3A_86 : memref<1000000x32xf32, #tpu.memory_space<hbm>>) dst(%dma_wait3A_80 : memref<128x32xf32, #tpu.memory_space<vmem>>)
    %scan3A_89 = arith.constant 0 : i32
    %scan3A_90 = arith.constant 128 : i32
    %scan3A_91 = arith.constant 128 : i32
    %scan3A_92 = arith.addi %scan3A_90, %scan3A_91 : i32
    %scan3A_93 = arith.constant 1 : i32
    %scan3A_94 = scf.for %scan3A_140 = %scan3A_90 to %scan3A_92 step %scan3A_93 iter_args(%scan3A_141 = %scan3A_89) -> (i32)  : i32 {
      %mul3A_142 = arith.constant 32 : i32
      %mul3A_143 = arith.muli %scan3A_140, %mul3A_142 : i32
      %broadcast_in_dim3A = vector.broadcast %scan3A_140 : i32 to vector<16xi32>
      %gather3A = tpu.vector_load_idx %arg6[%broadcast_in_dim3A, %mul3A_54] : memref<512x32xf32, #tpu.memory_space<vmem>>[vector<16xi32>, vector<16xi32>], vector<16xf32>,
      %gather3A_144 = tpu.vector_load_idx %arg6[%broadcast_in_dim3A, %add3A_57] : memref<512x32xf32, #tpu.memory_space<vmem>>[vector<16xi32>, vector<16xi32>], vector<16xf32>,
      %pack3A = tpu.pack_subelements %gather3A, %gather3A_144 {pack_format = #tpu.pack_format<interleaved>, positions = array<i32: 0, 1>} : vector<16xf32>, vector<16xf32> -> vector<32xbf16>
      %swap3A = arith.index_cast %mul3A_143 : i32 to index
      %swap3A_145 = tpu.vector_load %arg7[%swap3A] {strides = array<i32>} : memref<16384xbf16, #tpu.memory_space<vmem>>, vector<32xbf16>,
      tpu.vector_store %arg7[%swap3A], %pack3A {strides = array<i32>} : memref<16384xbf16, #tpu.memory_space<vmem>>, vector<32xbf16>,
      %scan3A_146 = arith.constant 0 : i32
      scf.yield %scan3A_146 : i32
    }
    %scan3A_95 = arith.constant 128 : i32
    %dma_wait3A_96 = arith.constant 2 : i32
    %dma_wait3A_97 = arith.constant 2 : i32
    %dma_wait3A_98 = arith.constant 256 : i32
    %dma_wait3A_99 = arith.constant 0 : i32
    %dma_wait3A_100 = tpu.memref_slice %arg6[%dma_wait3A_98, %dma_wait3A_99] : memref<512x32xf32, #tpu.memory_space<vmem>> -> memref<128x32xf32, #tpu.memory_space<vmem>>
    %dma_wait3A_101 = arith.constant 0 : i32
    %dma_wait3A_102 = tpu.memref_slice %arg5[%dma_wait3A_96, %dma_wait3A_101] : memref<4x128xi32, #tpu.memory_space<vmem>> -> memref<1x128xi32, #tpu.memory_space<vmem>>
    %dma_wait3A_103 = tpu.memref_squeeze %dma_wait3A_102 : memref<1x128xi32, #tpu.memory_space<vmem>> -> memref<128xi32, #tpu.memory_space<vmem>>
    %dma_wait3A_104 = arith.constant 0 : i32
    %dma_wait3A_105 = arith.constant 0 : i32
    %dma_wait3A_106 = tpu.memref_slice %arg2[%dma_wait3A_104, %dma_wait3A_105] : memref<1000000x32xf32, #tpu.memory_space<hbm>> -> memref<1000000x32xf32, #tpu.memory_space<hbm>>
    %dma_wait3A_107 = tpu.memref_slice %arg8[%dma_wait3A_97] : memref<4x!tpu.dma_semaphore, #tpu.memory_space<semaphore_mem>> -> memref<1x!tpu.dma_semaphore, #tpu.memory_space<semaphore_mem>>
    %dma_wait3A_108 = tpu.memref_squeeze %dma_wait3A_107 : memref<1x!tpu.dma_semaphore, #tpu.memory_space<semaphore_mem>> -> memref<!tpu.dma_semaphore, #tpu.memory_space<semaphore_mem>>
    tpu.wait_indirect_dma semaphore(%dma_wait3A_108 : memref<!tpu.dma_semaphore, #tpu.memory_space<semaphore_mem>>) src(%dma_wait3A_106 : memref<1000000x32xf32, #tpu.memory_space<hbm>>) dst(%dma_wait3A_100 : memref<128x32xf32, #tpu.memory_space<vmem>>)
    %scan3A_109 = arith.constant 0 : i32
    %scan3A_110 = arith.constant 256 : i32
    %scan3A_111 = arith.constant 128 : i32
    %scan3A_112 = arith.addi %scan3A_110, %scan3A_111 : i32
    %scan3A_113 = arith.constant 1 : i32
    %scan3A_114 = scf.for %scan3A_140 = %scan3A_110 to %scan3A_112 step %scan3A_113 iter_args(%scan3A_141 = %scan3A_109) -> (i32)  : i32 {
      %mul3A_142 = arith.constant 32 : i32
      %mul3A_143 = arith.muli %scan3A_140, %mul3A_142 : i32
      %broadcast_in_dim3A = vector.broadcast %scan3A_140 : i32 to vector<16xi32>
      %gather3A = tpu.vector_load_idx %arg6[%broadcast_in_dim3A, %mul3A_54] : memref<512x32xf32, #tpu.memory_space<vmem>>[vector<16xi32>, vector<16xi32>], vector<16xf32>,
      %gather3A_144 = tpu.vector_load_idx %arg6[%broadcast_in_dim3A, %add3A_57] : memref<512x32xf32, #tpu.memory_space<vmem>>[vector<16xi32>, vector<16xi32>], vector<16xf32>,
      %pack3A = tpu.pack_subelements %gather3A, %gather3A_144 {pack_format = #tpu.pack_format<interleaved>, positions = array<i32: 0, 1>} : vector<16xf32>, vector<16xf32> -> vector<32xbf16>
      %swap3A = arith.index_cast %mul3A_143 : i32 to index
      %swap3A_145 = tpu.vector_load %arg7[%swap3A] {strides = array<i32>} : memref<16384xbf16, #tpu.memory_space<vmem>>, vector<32xbf16>,
      tpu.vector_store %arg7[%swap3A], %pack3A {strides = array<i32>} : memref<16384xbf16, #tpu.memory_space<vmem>>, vector<32xbf16>,
      %scan3A_146 = arith.constant 0 : i32
      scf.yield %scan3A_146 : i32
    }
    %scan3A_115 = arith.constant 128 : i32
    %dma_wait3A_116 = arith.constant 3 : i32
    %dma_wait3A_117 = arith.constant 3 : i32
    %dma_wait3A_118 = arith.constant 384 : i32
    %dma_wait3A_119 = arith.constant 0 : i32
    %dma_wait3A_120 = tpu.memref_slice %arg6[%dma_wait3A_118, %dma_wait3A_119] : memref<512x32xf32, #tpu.memory_space<vmem>> -> memref<128x32xf32, #tpu.memory_space<vmem>>
    %dma_wait3A_121 = arith.constant 0 : i32
    %dma_wait3A_122 = tpu.memref_slice %arg5[%dma_wait3A_116, %dma_wait3A_121] : memref<4x128xi32, #tpu.memory_space<vmem>> -> memref<1x128xi32, #tpu.memory_space<vmem>>
    %dma_wait3A_123 = tpu.memref_squeeze %dma_wait3A_122 : memref<1x128xi32, #tpu.memory_space<vmem>> -> memref<128xi32, #tpu.memory_space<vmem>>
    %dma_wait3A_124 = arith.constant 0 : i32
    %dma_wait3A_125 = arith.constant 0 : i32
    %dma_wait3A_126 = tpu.memref_slice %arg2[%dma_wait3A_124, %dma_wait3A_125] : memref<1000000x32xf32, #tpu.memory_space<hbm>> -> memref<1000000x32xf32, #tpu.memory_space<hbm>>
    %dma_wait3A_127 = tpu.memref_slice %arg8[%dma_wait3A_117] : memref<4x!tpu.dma_semaphore, #tpu.memory_space<semaphore_mem>> -> memref<1x!tpu.dma_semaphore, #tpu.memory_space<semaphore_mem>>
    %dma_wait3A_128 = tpu.memref_squeeze %dma_wait3A_127 : memref<1x!tpu.dma_semaphore, #tpu.memory_space<semaphore_mem>> -> memref<!tpu.dma_semaphore, #tpu.memory_space<semaphore_mem>>
    tpu.wait_indirect_dma semaphore(%dma_wait3A_128 : memref<!tpu.dma_semaphore, #tpu.memory_space<semaphore_mem>>) src(%dma_wait3A_126 : memref<1000000x32xf32, #tpu.memory_space<hbm>>) dst(%dma_wait3A_120 : memref<128x32xf32, #tpu.memory_space<vmem>>)
    %scan3A_129 = arith.constant 0 : i32
    %scan3A_130 = arith.constant 384 : i32
    %scan3A_131 = arith.constant 128 : i32
    %scan3A_132 = arith.addi %scan3A_130, %scan3A_131 : i32
    %scan3A_133 = arith.constant 1 : i32
    %scan3A_134 = scf.for %scan3A_140 = %scan3A_130 to %scan3A_132 step %scan3A_133 iter_args(%scan3A_141 = %scan3A_129) -> (i32)  : i32 {
      %mul3A_142 = arith.constant 32 : i32
      %mul3A_143 = arith.muli %scan3A_140, %mul3A_142 : i32
      %broadcast_in_dim3A = vector.broadcast %scan3A_140 : i32 to vector<16xi32>
      %gather3A = tpu.vector_load_idx %arg6[%broadcast_in_dim3A, %mul3A_54] : memref<512x32xf32, #tpu.memory_space<vmem>>[vector<16xi32>, vector<16xi32>], vector<16xf32>,
      %gather3A_144 = tpu.vector_load_idx %arg6[%broadcast_in_dim3A, %add3A_57] : memref<512x32xf32, #tpu.memory_space<vmem>>[vector<16xi32>, vector<16xi32>], vector<16xf32>,
      %pack3A = tpu.pack_subelements %gather3A, %gather3A_144 {pack_format = #tpu.pack_format<interleaved>, positions = array<i32: 0, 1>} : vector<16xf32>, vector<16xf32> -> vector<32xbf16>
      %swap3A = arith.index_cast %mul3A_143 : i32 to index
      %swap3A_145 = tpu.vector_load %arg7[%swap3A] {strides = array<i32>} : memref<16384xbf16, #tpu.memory_space<vmem>>, vector<32xbf16>,
      tpu.vector_store %arg7[%swap3A], %pack3A {strides = array<i32>} : memref<16384xbf16, #tpu.memory_space<vmem>>, vector<32xbf16>,
      %scan3A_146 = arith.constant 0 : i32
      scf.yield %scan3A_146 : i32
    }
    %scan3A_135 = arith.constant 128 : i32
    %mul3A_136 = arith.constant 512 : i32
    %mul3A_137 = arith.muli %add3A, %mul3A_136 : i32
    %mul3A_138 = arith.constant 32 : i32
    %mul3A_139 = arith.muli %mul3A_137, %mul3A_138 : i32
    "tpu.region"() ({
      %run_scoped3A = tpu.sem_alloc : memref<!tpu.dma_semaphore, #tpu.memory_space<semaphore_mem>>
      %dma_start3A_140 = tpu.memref_slice %arg4[%mul3A_139] : memref<524288xbf16, #tpu.memory_space<hbm>> -> memref<16384xbf16, #tpu.memory_space<hbm>>
      %dma_start3A_141 = tpu.memref_slice %arg4[%mul3A_139] : memref<524288xbf16, #tpu.memory_space<hbm>> -> memref<16384xbf16, #tpu.memory_space<hbm>>
      tpu.enqueue_dma source(%arg7 : memref<16384xbf16, #tpu.memory_space<vmem>>) target(%dma_start3A_141 : memref<16384xbf16, #tpu.memory_space<hbm>>) target_semaphore(%run_scoped3A : memref<!tpu.dma_semaphore, #tpu.memory_space<semaphore_mem>>)
      %dma_wait3A_142 = tpu.memref_slice %arg4[%mul3A_139] : memref<524288xbf16, #tpu.memory_space<hbm>> -> memref<16384xbf16, #tpu.memory_space<hbm>>
      %dma_wait3A_143 = tpu.memref_slice %arg4[%mul3A_139] : memref<524288xbf16, #tpu.memory_space<hbm>> -> memref<16384xbf16, #tpu.memory_space<hbm>>
      tpu.wait_dma2 semaphore(%run_scoped3A : memref<!tpu.dma_semaphore, #tpu.memory_space<semaphore_mem>>) src(%arg7 : memref<16384xbf16, #tpu.memory_space<vmem>>) dst(%dma_wait3A_143 : memref<16384xbf16, #tpu.memory_space<hbm>>)
      tpu.yield
    }) : () -> ()
    return
  }
}

</mosaic_0001>

<sc_bundles>
// kernel: _lookup.3.cloned.1.call-start
scs
__scs_entry_jumppad:
0x0: {  	(pc) =	sbr.rel $0x88, $3  }
0x1: {  	(tag) =	ssettag $0x0;
	lr =	simm.s32 $0x1  }
0x2: {  	[smem:$0x3F9F] =	sst lr;
	_ =	strace $0xD0000000  }
0x3: {  	_ = 	snop  }
0x4: {  	_ = 	snop  }
0x5: {  	_ = 	snop  }
0x6: {  	_ = 	snop  }
0x7: {  	_ = 	snop  }
__scs_overlays_trampoline_lowered:
0x8: {  	[smem:$0x3FAE] =	sst s0  }
0x9: {  	[smem:$0x3FAF] =	sst s1  }
0xa: {  	[smem:$0x3FB0] =	sst s2  }
0xb: {  	[smem:$0x3FB1] =	sst s3  }
0xc: {  	[smem:$0x3FB2] =	sst s4  }
0xd: {  	[smem:$0x3FB3] =	sst s5  }
0xe: {  	[smem:$0x3FB4] =	sst s6  }
0xf: {  	[smem:$0x3FB5] =	sst s7  }
0x10: {  	[smem:$0x3FB6] =	sst s8  }
0x11: {  	[smem:$0x3FB7] =	sst s9;
	s0 =	simm.s32 @!p0 $0x0  }
0x12: {  	s1 =	sld [smem:$0x3F9D];
	s0 =	simm.s32 @p0 $0x1  }
0x13: {  	[smem:$0x3FB8] =	sst s0;
	s0 =	simm.s32 @!p1 $0x0  }
0x14: {  	s2 =	sld [smem:$0x3F9C];
	s0 =	simm.s32 @p1 $0x1  }
0x15: {  	[smem:$0x3FB9] =	sst s0;
	s0 =	simm.s32 @!p2 $0x0  }
0x16: {  	s3 =	sld [smem:$0x3FDB];
	s0 =	simm.s32 @p2 $0x1  }
0x17: {  	s4 =	simm.s32 $0x1BF5;
	[smem:$0x3FBB] =	sst s0  }
0x18: {  	s0 =	sld [smem:$0x3F9E];
	_ =	swait.ge [sflag:s4], $0x0  }
0x19: {  	s7 =	sld [smem:$0x3F9F]  }
0x1a: {  	s8 =	sadd.s32 $0xFFFFE003, lr  }
0x1b: {  	s9 =	sadd.s32 $0xFFFFFEF7, lr;
	s5 =	simm.s32 $0xFFFFFFFF;
	p2 =	slt.u32 s8, $0xFFFFF086  }
0x1c: {  	p1 =	slt.u32 s9, $0xF7A;
	s5 =	simm.s32 @!p2 $0x0  }
0x1d: {  	s5 =	simm.s32 @p1 $0x1;
	p0 =	seq.s32 s7, s2  }
0x1e: {  	s7 =	smul.u32 @!p0 $0xF7A, s2;
	p2 =	seq.s32 @!p0 s5, $0x0  }
0x1f: {  	s9 =	smul.u32 $0xF7A, s1;
	s8 =	simm.s32 @!p0 $0x1BF5;
	p2 =	por !p2, p0  }
0x20: {  	[sflag:s8] =	ssyncset.s32 @!p0 $0xFFFFF086;
	s6 =	sadd.s32 @!p0 s3, s7;
	s7 =	simm.s32 @!p0 $0x108  }
0x21: {  	s3 =	sadd.s32 s3, s9;
	s6 =	sadd.s32 @!p0 $0x88, s6;
	s7 =	simm.s32 @p2 $0x1082  }
0x22: {  	[simem:s7], [sflag:s8] =	dma.local @!p0 [hbm:s6], $0xF7A  }
0x23: {  	s9 =	sor.u32 $0xD0000000, s2;
	s6 =	simm.s32 $0x108;
	_ =	swait.ge @!p0 [sflag:s8], $0x0  }
0x24: {  	s3 =	sadd.s32 $0x88, s3;
	s6 =	simm.s32 @!p1 $0x1082;
	[sflag:s4] =	ssyncset.s32 $0xFFFFF086  }
0x25: {  	[simem:s6], [sflag:s4] =	dma.local [hbm:s3], $0xF7A  }
0x26: {  	[smem:$0x3F9F] =	sst s1;
	(tag) =	ssettag s2;
	_ =	strace s9  }
0x27: {  	s1 =	sld [smem:$0x3FAF]  }
0x28: {  	s2 =	sld [smem:$0x3FB0]  }
0x29: {  	s4 =	sld [smem:$0x3FB2]  }
0x2a: {  	p0 =	seq.s32 s5, $0x0;
	s5 =	sld [smem:$0x3FB3]  }
0x2b: {  	s6 =	sld [smem:$0x3FB4]  }
0x2c: {  	s7 =	sld [smem:$0x3FB5]  }
0x2d: {  	s3 =	simm.s32 $0x108;
	s8 =	sld [smem:$0x3FB6]  }
0x2e: {  	s3 =	simm.s32 @!p0 $0x1082;
	s9 =	sld [smem:$0x3FB7]  }
0x2f: {  	lr =	sadd.s32 s0, s3;
	s0 =	sld [smem:$0x3FAE]  }
0x30: {  	s3 =	sld [smem:$0x3FB1]  }
0x31: {  	[smem:$0x3FBA] =	sst s10  }
0x32: {  	s10 =	sld [smem:$0x3FB8];
	_ =	sdelay $0x3  }
0x33: {  	p0 =	seq.s32 s10, $0x1;
	s10 =	sld [smem:$0x3FBA];
	_ =	sdelay $0x3  }
0x34: {  	[smem:$0x3FBA] =	sst s10  }
0x35: {  	s10 =	sld [smem:$0x3FB9];
	_ =	sdelay $0x3  }
0x36: {  	p1 =	seq.s32 s10, $0x1;
	s10 =	sld [smem:$0x3FBA];
	_ =	sdelay $0x3  }
0x37: {  	[smem:$0x3FBA] =	sst s10  }
0x38: {  	s10 =	sld [smem:$0x3FBB]  }
0x39: {  	_ = 	snop;
	(pc) =	sbr.ind lr, $3  }
0x3a: {  	_ = 	snop  }
0x3b: {  	_ = 	snop  }
0x3c: {  	p2 =	seq.s32 s10, $0x1;
	s10 =	sld [smem:$0x3FBA]  }
0x3d: {  	_ =	shalt  }
0x3e: {  	_ =	shalt  }
0x3f: {  	_ =	shalt  }
0x40: {  	_ =	shalt  }
0x41: {  	_ =	shalt  }
0x42: {  	_ =	shalt  }
0x43: {  	_ =	shalt  }
0x44: {  	_ =	shalt  }
0x45: {  	_ =	shalt  }
0x46: {  	_ =	shalt  }
0x47: {  	_ =	shalt  }
0x48: {  	_ =	shalt  }
0x49: {  	_ =	shalt  }
0x4a: {  	_ =	shalt  }
0x4b: {  	_ =	shalt  }
0x4c: {  	_ =	shalt  }
0x4d: {  	_ =	shalt  }
0x4e: {  	_ =	shalt  }
0x4f: {  	_ =	shalt  }
0x50: {  	_ =	shalt  }
0x51: {  	_ =	shalt  }
0x52: {  	_ =	shalt  }
0x53: {  	_ =	shalt  }
0x54: {  	_ =	shalt  }
0x55: {  	_ =	shalt  }
0x56: {  	_ =	shalt  }
0x57: {  	_ =	shalt  }
0x58: {  	_ =	shalt  }
0x59: {  	_ =	shalt  }
0x5a: {  	_ =	shalt  }
0x5b: {  	_ =	shalt  }
0x5c: {  	_ =	shalt  }
0x5d: {  	_ =	shalt  }
0x5e: {  	_ =	shalt  }
0x5f: {  	_ =	shalt  }
0x60: {  	_ =	shalt  }
0x61: {  	_ =	shalt  }
0x62: {  	_ =	shalt  }
0x63: {  	_ =	shalt  }
0x64: {  	_ =	shalt  }
0x65: {  	_ =	shalt  }
0x66: {  	_ =	shalt  }
0x67: {  	_ =	shalt  }
0x68: {  	_ =	shalt  }
0x69: {  	_ =	shalt  }
0x6a: {  	_ =	shalt  }
0x6b: {  	_ =	shalt  }
0x6c: {  	_ =	shalt  }
0x6d: {  	_ =	shalt  }
0x6e: {  	_ =	shalt  }
0x6f: {  	_ =	shalt  }
0x70: {  	_ =	shalt  }
0x71: {  	_ =	shalt  }
0x72: {  	_ =	shalt  }
0x73: {  	_ =	shalt  }
0x74: {  	_ =	shalt  }
0x75: {  	_ =	shalt  }
0x76: {  	_ =	shalt  }
0x77: {  	_ =	shalt  }
0x78: {  	_ =	shalt  }
0x79: {  	_ =	shalt  }
0x7a: {  	_ =	shalt  }
0x7b: {  	_ =	shalt  }
0x7c: {  	_ =	shalt  }
0x7d: {  	_ =	shalt  }
0x7e: {  	_ =	shalt  }
0x7f: {  	_ =	shalt  }
0x80: {  	_ =	shalt  }
0x81: {  	_ =	shalt  }
0x82: {  	_ =	shalt  }
0x83: {  	_ =	shalt  }
0x84: {  	_ =	shalt  }
0x85: {  	_ =	shalt  }
0x86: {  	_ =	shalt  }
0x87: {  	_ =	shalt  }
.Lfunc_end0:
.L_simem_size_0:
called_computation_lowered:
.L_overlay_start_0:
0x88: {  	s2 =	sld [smem:$0x3FD9]  }
0x89: {  	s3 =	sld [smem:$0x3FFE];
	_ =	sdelay $0x1  }
0x8a: {  	s1 =	srdreg.scid  }
0x8b: {  	s0 =	sand.u32 $0x1, s1  }
0x8c: {  	s17 =	sshll.u32 s0, $0xA;
	s2 =	sadd.s32 s3, s2  }
0x8d: {  	s2 =	sadd.s32 s2, s17  }
0x8e: {  	[smem:$0x3FC6] =	sst s2  }
0x8f: {  	_ = 	snop  }
0x90: {  	s2 =	sld [smem:$0x3FC8]  }
0x91: {  	s18 =	sld [smem:$0x3FD0];
	(tm) =	ssettm $0x1  }
0x92: {  	s4 =	sld [smem:$0x3FFB];
	_ =	sdelay $0x3  }
0x93: {  	_ =	strace s4  }
0x94: {  	s4 =	sld [smem:$0x3FFC];
	_ =	sdelay $0x3  }
0x95: {  	_ =	strace s4  }
0x96: {  	s4 =	sld [smem:$0x3FFD];
	_ =	sdelay $0x3  }
0x97: {  	_ =	strace s4  }
0x98: {  	_ =	strace $0x8FFFFFFF  }
0x99: {  	s19 =	sld [smem:$0x3FDB];
	_ =	sdelay $0x1  }
0x9a: {  	s5 =	simm.s32 $_scs_section_size  }
0x9b: {  	s6 =	simm.s32 $_size__tile_overlayer_lowered;
	s7 =	simm.s32 $_tile_overlayer_lowered  }
0x9c: {  	s22 =	simm.s32 $0x1BFF;
	s21 =	sshll.u32 s7, $0x1;
	s4 =	sadd.s32 s5, s19  }
0x9d: {  	s8 =	simm.s32 $0x0;
	s20 =	sshll.u32 s6, $0x1;
	s6 =	sadd.s32 s21, s4  }
0x9e: {  	[timem:s8], [sflag:s22] =	dma.local [hbm:s6], s20  }
0x9f: {  	_ =	swait.ge [sflag:s22], s20  }
0xa0: {  	s5 =	ssub.s32 $0x0, s20;
	[sflag:s22] =	ssyncset.done $0x0  }
0xa1: {  	[sflag:s22] =	ssyncadd.s32 s5;
	_ =	sdelay $0x1  }
0xa2: {  	s23 =	simm.s32 $0x1B8B  }
0xa3: {  	_ =	swait.ge [sflag:s23], $0x1  }
0xa4: {  	[sflag:s23] =	ssyncset.done $0x0  }
0xa5: {  	s25 =	simm.s32 $0x1B8E;
	s24 =	sld [smem:$0x3FFE];
	[sflag:s23] =	ssyncadd.s32 $0xFFFFFFFF  }
0xa6: {  	s26 =	simm.s32 $execute0_lowered;
	[smem:$0x3FD2] =	sst s25  }
0xa7: {  	s6 =	sshll.u32 s26, $0x1;
	_ =	strace $0x80000046;
	[dreg:$0x1] =	wrdreg $0xFFFFFFFF  }
0xa8: {  	s28 =	simm.s32 $_size_execute0_lowered;
	s4 =	sadd.s32 s4, s6;
	[dreg:$0x0] =	wrdreg $0x0  }
0xa9: {  	s6 =	sshll.u32 s28, $0x1;
	[dreg:$0x2] =	wrdreg s4  }
0xaa: {  	[dreg:$0x3] =	wrdreg s6  }
0xab: {  	[dreg:$0x4] =	wrdreg $0xC0  }
0xac: {  	_ =	task [dreg:s8], $0x5FFFF  }
0xad: {  	[dreg:$0x1] =	wrdreg $0xFFFFFFFF  }
0xae: {  	[dreg:$0x0] =	wrdreg $0x60  }
0xaf: {  	[dreg:$0x2] =	wrdreg s24  }
0xb0: {  	[dreg:$0x3] =	wrdreg s2  }
0xb1: {  	[dreg:$0x4] =	wrdreg s18  }
0xb2: {  	[dreg:$0x5] =	wrdreg $0x9  }
0xb3: {  	_ =	task.clear_ibuf [dreg:s8], $0x6FFFF;
	_ =	strace $0x90000046  }
0xb4: {  	s29 =	simm.s32 $0x9;
	_ =	strace $0x80000048  }
0xb5: {  	_ =	swait.ge [sflag:s29], $0x1  }
0xb6: {  	[sflag:s29] =	ssyncadd.s32 $0xFFFFFFFF  }
0xb7: {  	_ =	strace $0x90000048  }
0xb8: {  	_ =	sfence  }
0xb9: {  	s30 =	sld [smem:$0x0];
	_ =	sdelay $0x2  }
0xba: {  	s31 =	sshll.u32 s1, $0xD;
	s1 =	sshrl.u32 s1, $0x2  }
0xbb: {  	s3 =	sand.u32 $0x4000, s31;
	s1 =	sadd.s32 s1, s30  }
0xbc: {  	s0 =	sor.u32 s3, s0;
	s1 =	sshll.u32 s1, $0x11  }
0xbd: {  	s0 =	sor.u32 s1, s0  }
0xbe: {  	s0 =	sadd.s32 $0x8F2B, s0  }
0xbf: {  	[sflag:s0] =	ssyncadd.remote.s32 $0x1  }
0xc0: {  	_ =	sfence.sel $0xFFFF  }
0xc1: {  	[dreg:$0x0] =	wrdreg $0xFFFFFFFF;
	(pc) =	sbr.abs _section_cstart, $3  }
0xc2: {  	[dreg:$0x1] =	wrdreg $0xFFFFFFFF  }
0xc3: {  	_ =	task.clear_ibuf [dreg:s8], $0x2FFFF;
	_ =	strace $0x9FFFFFFF  }
0xc4: {  	(tm) =	ssettm $0x7FFFFFFF  }
0xc5: {  	_ =	shalt  }
tec
execute0_lowered:
.L_overlay_start_1:
0x0: {  	(tag) =	ssettag $0x1  }
0x1: {  	s3 =	rddreg [dreg:$0x0]  }
0x2: {  	s4 =	rddreg [dreg:$0x1]  }
0x3: {  	s5 =	rddreg [dreg:$0x2]  }
0x4: {  	s0 =	rddreg [dreg:$0x3];
	s2 =	simm.s32 $0x0  }
0x5: {  	s6 =	srdreg.scid;
	s1 =	stileid.u32;
	s10 =	simm.s32 $0x1200  }
0x6: {  	s11 =	simm.s32 $0x100;
	s12 =	simm.s32 $0x2200;
	s13 =	simm.s32 $0x180  }
0x7: {  	s14 =	simm.s32 $0x3200;
	s15 =	simm.s32 $0x1;
	s16 =	simm.s32 $0x2  }
0x8: {  	s17 =	simm.s32 $0x3;
	s18 =	simm.s32 $0x4;
	s19 =	simm.s32 $0x4200  }
0x9: {  	s20 =	simm.s32 $0x0;
	[smem:$0x7FF] =	sst s2;
	s6 =	sand.u32 $0x1, s6  }
0xa: {  	s7 =	sshll.u32 s1, $0x1;
	s3 =	sadd.s32 $0xF42800, s3;
	s8 =	ssub.s32 $0x2, s6  }
0xb: {  	v0 =	vlaneseq.u32;
	_ =	strace $0x80000047;
	s6 =	sor.u32 s6, s7;
	s31 =	sshrl.u32 s8, $0x1  }
0xc: {  	v0 =	vmul.u32 $0x2, v0;
	s9 =	sshll.u32 s6, $0x6;
	s6 =	sshll.u32 s6, $0xA;
	s7 =	ssub.s32 s8, s31  }
0xd: {  	s4 =	sadd.s32 s4, s9;
	s5 =	sadd.s32 s5, s6;
	s8 =	simm.s32 $0x80  }
0xe: {  	v1 =	vor.u32 $0x1, v0;
	s9 =	simm.s32 $0x200;
	s6 =	smax.u32 s7, $0x1;
	s7 =	simm.s32 $0x5  }
.LBB2_1:
0xf: {  	[tilespmem:s2], [sflag:$0x5] =	stream.linear.gather [hbm4b:s4+s2], $0x200, $0x38;
	[tilespmem:$0x6200] =	vst v63  }
0x10: {  	_ =	swait.ge [sflag:s7], $0x200  }
0x11: {  	[sflag:s7] =	ssyncset.done $0x0  }
0x12: {  	[sflag:s7] =	ssyncadd.s32 $0xFFFFFE00  }
0x13: {  	[tilespmem:s9], [sflag:$0x1] =	stream.indirect.gather [hbm4b:s3+s8], $0x20, s2, s8, $0xb8;
	[tilespmem:$0x6200] =	vst v63  }
0x14: {  	_ = 	snop  }
0x15: {  	[tilespmem:s10], [sflag:$0x2] =	stream.indirect.gather [hbm4b:s3+s8], $0x20, s8, s8, $0xb8;
	[tilespmem:$0x6200] =	vst v63  }
0x16: {  	s21 =	simm.s32 $0x0  }
0x17: {  	[tilespmem:s12], [sflag:$0x3] =	stream.indirect.gather [hbm4b:s3+s8], $0x20, s11, s8, $0xb8;
	[tilespmem:$0x6200] =	vst v63  }
0x18: {  	v2 =	vor.u32 s21, v1  }
0x19: {  	v3 =	vor.u32 s21, v0;
	[tilespmem:s14], [sflag:$0x4] =	stream.indirect.gather [hbm4b:s3+s8], $0x20, s13, s8, $0xb8;
	[tilespmem:$0x6200] =	vst v63  }
0x1a: {  	_ =	swait.ge [sflag:s15], $0x1000  }
0x1b: {  	[sflag:s15] =	ssyncset.done $0x0  }
0x1c: {  	[sflag:s15] =	ssyncadd.s32 $0xFFFFF000  }
0x1d: {  	v2 =	vld.idx.msk [tilespmem:v2+s9+$0x0], $0xffff  }
0x1e: {  	v3 =	vld.idx.msk [tilespmem:v3+s9+$0x0], $0xffff  }
0x1f: {  	s31 =	simm.s32 $0x20  }
0x20: {  	v4 =	vor.u32 s31, v1  }
0x21: {  	v5 =	vor.u32 s31, v0;
	_ =	sdelay $0x1  }
0x22: {  	v2 =	vpack.i.f32.bf16 v2, v3  }
0x23: {  	[tilespmem:s19+$0x0] =	vst v2  }
0x24: {  	v2 =	vld.idx.msk [tilespmem:v4+s9+$0x0], $0xffff  }
0x25: {  	v4 =	vld.idx.msk [tilespmem:v5+s9+$0x0], $0xffff  }
0x26: {  	s23 =	simm.s32 $0x40  }
0x27: {  	s22 =	simm.s32 $0x3;
	s21 =	simm.s32 $0x4200;
	v3 =	vor.u32 s23, v1  }
.LBB2_2:
0x28: {  	p0 =	sne.s32 s22, $0x7F;
	v5 =	vor.u32 s23, v0;
	_ =	sdelay $0x1  }
0x29: {  	s21 =	sadd.s32 $0x10, s21;
	v2 =	vpack.i.f32.bf16 v2, v4  }
0x2a: {  	[tilespmem:s21+$0x0] =	vst v2  }
.Ltmp0:
0x2b: {  	v2 =	vld.idx.msk [tilespmem:v3+s9+$0x0], $0xffff;
	(pc) =	sbr.rel @p0 .LBB2_2-.Ltmp0, $3  }
0x2c: {  	v4 =	vld.idx.msk [tilespmem:v5+s9+$0x0], $0xffff;
	_ =	sdelay $0x1  }
0x2d: {  	s23 =	sshll.u32 s22, $0x5  }
0x2e: {  	s22 =	sadd.s32 $0x1, s22;
	v3 =	vor.u32 s23, v1  }
0x2f: {  	v5 =	vor.u32 s23, v0;
	_ =	sdelay $0x1  }
0x30: {  	s21 =	sadd.s32 $0x10, s21;
	v2 =	vpack.i.f32.bf16 v2, v4  }
0x31: {  	[tilespmem:s21+$0x0] =	vst v2  }
0x32: {  	v2 =	vld.idx.msk [tilespmem:v3+s9+$0x0], $0xffff  }
0x33: {  	v3 =	vld.idx.msk [tilespmem:v5+s9+$0x0], $0xffff;
	_ =	sdelay $0x3  }
0x34: {  	s22 =	simm.s32 $0x1000  }
0x35: {  	s21 =	sadd.s32 $0x10, s21;
	v2 =	vpack.i.f32.bf16 v2, v3;
	v3 =	vor.u32 s22, v1  }
0x36: {  	[tilespmem:s21+$0x0] =	vst v2;
	v2 =	vor.u32 s22, v0  }
0x37: {  	_ =	swait.ge [sflag:s16], $0x1000  }
0x38: {  	[sflag:s16] =	ssyncset.done $0x0  }
0x39: {  	[sflag:s16] =	ssyncadd.s32 $0xFFFFF000  }
0x3a: {  	v3 =	vld.idx.msk [tilespmem:v3+s9+$0x0], $0xffff  }
0x3b: {  	v2 =	vld.idx.msk [tilespmem:v2+s9+$0x0], $0xffff  }
0x3c: {  	s31 =	simm.s32 $0x1020  }
0x3d: {  	v4 =	vor.u32 s31, v1  }
0x3e: {  	v5 =	vor.u32 s31, v0;
	_ =	sdelay $0x1  }
0x3f: {  	s21 =	simm.s32 $0x4A00;
	v2 =	vpack.i.f32.bf16 v3, v2  }
0x40: {  	[tilespmem:s21+$0x0] =	vst v2  }
0x41: {  	v2 =	vld.idx.msk [tilespmem:v4+s9+$0x0], $0xffff  }
0x42: {  	v4 =	vld.idx.msk [tilespmem:v5+s9+$0x0], $0xffff  }
0x43: {  	s23 =	simm.s32 $0x1040  }
0x44: {  	s22 =	simm.s32 $0x83;
	v3 =	vor.u32 s23, v1  }
.LBB2_4:
0x45: {  	p0 =	sne.s32 s22, $0xFF;
	v5 =	vor.u32 s23, v0;
	_ =	sdelay $0x1  }
0x46: {  	s21 =	sadd.s32 $0x10, s21;
	v2 =	vpack.i.f32.bf16 v2, v4  }
0x47: {  	[tilespmem:s21+$0x0] =	vst v2  }
.Ltmp1:
0x48: {  	v2 =	vld.idx.msk [tilespmem:v3+s9+$0x0], $0xffff;
	(pc) =	sbr.rel @p0 .LBB2_4-.Ltmp1, $3  }
0x49: {  	v4 =	vld.idx.msk [tilespmem:v5+s9+$0x0], $0xffff;
	_ =	sdelay $0x1  }
0x4a: {  	s23 =	sshll.u32 s22, $0x5  }
0x4b: {  	s22 =	sadd.s32 $0x1, s22;
	v3 =	vor.u32 s23, v1  }
0x4c: {  	v5 =	vor.u32 s23, v0;
	_ =	sdelay $0x1  }
0x4d: {  	s21 =	sadd.s32 $0x10, s21;
	v2 =	vpack.i.f32.bf16 v2, v4  }
0x4e: {  	[tilespmem:s21+$0x0] =	vst v2  }
0x4f: {  	v2 =	vld.idx.msk [tilespmem:v3+s9+$0x0], $0xffff  }
0x50: {  	v3 =	vld.idx.msk [tilespmem:v5+s9+$0x0], $0xffff;
	_ =	sdelay $0x3  }
0x51: {  	s22 =	simm.s32 $0x2000  }
0x52: {  	s21 =	sadd.s32 $0x10, s21;
	v2 =	vpack.i.f32.bf16 v2, v3;
	v3 =	vor.u32 s22, v1  }
0x53: {  	[tilespmem:s21+$0x0] =	vst v2;
	v2 =	vor.u32 s22, v0  }
0x54: {  	_ =	swait.ge [sflag:s17], $0x1000  }
0x55: {  	[sflag:s17] =	ssyncset.done $0x0  }
0x56: {  	[sflag:s17] =	ssyncadd.s32 $0xFFFFF000  }
0x57: {  	v3 =	vld.idx.msk [tilespmem:v3+s9+$0x0], $0xffff  }
0x58: {  	v2 =	vld.idx.msk [tilespmem:v2+s9+$0x0], $0xffff  }
0x59: {  	s31 =	simm.s32 $0x2020  }
0x5a: {  	v4 =	vor.u32 s31, v1  }
0x5b: {  	v5 =	vor.u32 s31, v0;
	_ =	sdelay $0x1  }
0x5c: {  	s21 =	simm.s32 $0x5200;
	v2 =	vpack.i.f32.bf16 v3, v2  }
0x5d: {  	[tilespmem:s21+$0x0] =	vst v2  }
0x5e: {  	v2 =	vld.idx.msk [tilespmem:v4+s9+$0x0], $0xffff  }
0x5f: {  	v4 =	vld.idx.msk [tilespmem:v5+s9+$0x0], $0xffff  }
0x60: {  	s23 =	simm.s32 $0x2040  }
0x61: {  	s22 =	simm.s32 $0x103;
	v3 =	vor.u32 s23, v1  }
.LBB2_6:
0x62: {  	p0 =	sne.s32 s22, $0x17F;
	v5 =	vor.u32 s23, v0;
	_ =	sdelay $0x1  }
0x63: {  	s21 =	sadd.s32 $0x10, s21;
	v2 =	vpack.i.f32.bf16 v2, v4  }
0x64: {  	[tilespmem:s21+$0x0] =	vst v2  }
.Ltmp2:
0x65: {  	v2 =	vld.idx.msk [tilespmem:v3+s9+$0x0], $0xffff;
	(pc) =	sbr.rel @p0 .LBB2_6-.Ltmp2, $3  }
0x66: {  	v4 =	vld.idx.msk [tilespmem:v5+s9+$0x0], $0xffff;
	_ =	sdelay $0x1  }
0x67: {  	s23 =	sshll.u32 s22, $0x5  }
0x68: {  	s22 =	sadd.s32 $0x1, s22;
	v3 =	vor.u32 s23, v1  }
0x69: {  	v5 =	vor.u32 s23, v0;
	_ =	sdelay $0x1  }
0x6a: {  	s21 =	sadd.s32 $0x10, s21;
	v2 =	vpack.i.f32.bf16 v2, v4  }
0x6b: {  	[tilespmem:s21+$0x0] =	vst v2  }
0x6c: {  	v2 =	vld.idx.msk [tilespmem:v3+s9+$0x0], $0xffff  }
0x6d: {  	v3 =	vld.idx.msk [tilespmem:v5+s9+$0x0], $0xffff;
	_ =	sdelay $0x3  }
0x6e: {  	s22 =	simm.s32 $0x3000  }
0x6f: {  	s21 =	sadd.s32 $0x10, s21;
	v2 =	vpack.i.f32.bf16 v2, v3;
	v3 =	vor.u32 s22, v1  }
0x70: {  	[tilespmem:s21+$0x0] =	vst v2;
	v2 =	vor.u32 s22, v0  }
0x71: {  	_ =	swait.ge [sflag:s18], $0x1000  }
0x72: {  	[sflag:s18] =	ssyncset.done $0x0  }
0x73: {  	[sflag:s18] =	ssyncadd.s32 $0xFFFFF000  }
0x74: {  	v3 =	vld.idx.msk [tilespmem:v3+s9+$0x0], $0xffff  }
0x75: {  	v2 =	vld.idx.msk [tilespmem:v2+s9+$0x0], $0xffff  }
0x76: {  	s31 =	simm.s32 $0x3020  }
0x77: {  	v4 =	vor.u32 s31, v1  }
0x78: {  	v5 =	vor.u32 s31, v0;
	_ =	sdelay $0x1  }
0x79: {  	s21 =	simm.s32 $0x5A00;
	v2 =	vpack.i.f32.bf16 v3, v2  }
0x7a: {  	[tilespmem:s21+$0x0] =	vst v2  }
0x7b: {  	v2 =	vld.idx.msk [tilespmem:v4+s9+$0x0], $0xffff  }
0x7c: {  	v4 =	vld.idx.msk [tilespmem:v5+s9+$0x0], $0xffff  }
0x7d: {  	s23 =	simm.s32 $0x3040  }
0x7e: {  	s22 =	simm.s32 $0x183;
	v3 =	vor.u32 s23, v1  }
.LBB2_8:
0x7f: {  	p0 =	sne.s32 s22, $0x1FF;
	v5 =	vor.u32 s23, v0;
	_ =	sdelay $0x1  }
0x80: {  	s21 =	sadd.s32 $0x10, s21;
	v2 =	vpack.i.f32.bf16 v2, v4  }
0x81: {  	[tilespmem:s21+$0x0] =	vst v2  }
.Ltmp3:
0x82: {  	v2 =	vld.idx.msk [tilespmem:v3+s9+$0x0], $0xffff;
	(pc) =	sbr.rel @p0 .LBB2_8-.Ltmp3, $3  }
0x83: {  	v4 =	vld.idx.msk [tilespmem:v5+s9+$0x0], $0xffff;
	_ =	sdelay $0x1  }
0x84: {  	s23 =	sshll.u32 s22, $0x5  }
0x85: {  	s22 =	sadd.s32 $0x1, s22;
	v3 =	vor.u32 s23, v1  }
0x86: {  	v5 =	vor.u32 s23, v0;
	_ =	sdelay $0x1  }
0x87: {  	s21 =	sadd.s32 $0x10, s21;
	v2 =	vpack.i.f32.bf16 v2, v4  }
0x88: {  	[tilespmem:s21+$0x0] =	vst v2  }
0x89: {  	v2 =	vld.idx.msk [tilespmem:v3+s9+$0x0], $0xffff  }
0x8a: {  	v3 =	vld.idx.msk [tilespmem:v5+s9+$0x0], $0xffff;
	_ =	sdelay $0x3  }
0x8b: {  	s20 =	sadd.s32 $0x1, s20  }
0x8c: {  	p0 =	sne.s32 s20, s6;
	s21 =	sadd.s32 $0x10, s21;
	v2 =	vpack.i.f32.bf16 v2, v3  }
.Ltmp4:
0x8d: {  	[tilespmem:s21+$0x0] =	vst v2;
	(pc) =	sbr.rel @p0 .LBB2_1-.Ltmp4, $4  }
0x8e: {  	[hbm4b:s5+s2] =	stream.linear.scatter [tilespmem:s19], [sflag:$0x5], $0x2000, $0x38;
	[tilespmem:$0x6200] =	vst v63  }
0x8f: {  	_ =	swait.ge [sflag:s7], $0x2000  }
0x90: {  	[sflag:s7] =	ssyncset.done $0x0  }
0x91: {  	[sflag:s7] =	ssyncadd.s32 $0xFFFFE000  }
0x92: {  	_ =	sfence.sel $0x180000  }
0x93: {  	[bflag:$0x0] =	sbarrier.arrive $0xFFFF  }
0x94: {  	p0 =	sne.s32 s1, $0x0;
	_ =	strace $0x90000047  }
0x95: {  	s0 =	sadd.s32 @!p0 $0x100000, s0;
	[bflag:$0x2] =	sbarrier.arrive $0xFFFF  }
0x96: {  	[sflag:s0] =	ssyncadd.tile.s32 @!p0 $0x1;
	_ =	shalt  }
.Lfunc_end2:
_tile_overlayer_lowered:
.L_overlay_start_2:
0x97: {  	(tag) =	ssettag $0x2  }
0x98: {  	s0 =	rddreg [dreg:$0x0];
	s2 =	stileid.u32  }
0x99: {  	s1 =	rddreg [dreg:$0x1];
	p0 =	sne.s32 s2, $0x0  }
0x9a: {  	s3 =	rddreg [dreg:$0x2];
	[bflag:$0x3] =	sbarrier.arrive $0xFFFF;
	s2 =	simm.s32 @!p0 $0x1C05  }
0x9b: {  	[timem:s3], [sflag:s2] =	dma.local @!p0 [hbm:s0], s1  }
0x9c: {  	s0 =	simm.s32 @!p0 $0x5  }
0x9d: {  	_ =	swait.ge @!p0 [sflag:s0], s1  }
0x9e: {  	s1 =	ssub.s32 @!p0 $0x0, s1;
	[sflag:s0] =	ssyncset.done @!p0 $0x0  }
0x9f: {  	[sflag:s0] =	ssyncadd.s32 @!p0 s1  }
0xa0: {  	[bflag:$0x3] =	sbarrier.arrive $0xFFFF  }
0xa1: {  	_ =	shalt  }

</sc_bundles>
